<compile_context>
chip_gen: v7x
topology: tpu7x:2x2x1
jax: 0.10.2.dev20260603
libtpu: 0.0.44.dev20260713+nightly
codegen_flags: <defaults>
</compile_context>

<pallas_src>
import functools

import jax
import jax.numpy as jnp
from jax import lax
from jax.experimental import pallas as pl
from jax.experimental.pallas import tpu as pltpu
from jax.experimental.pallas import tpu_sc as plsc

B = 16384
D = 64
H = 128
NC, NS = 2, 16
NW = NC * NS
BPW = B // NW
G = 128
PASS = 256


@functools.cache
def _build_sc_gather():
    mesh = plsc.VectorSubcoreMesh(
        core_axis_name="c", subcore_axis_name="s", num_cores=NC, num_subcores=NS
    )

    @functools.partial(
        pl.kernel,
        out_type=(
            jax.ShapeDtypeStruct((B, H), jnp.float32),
            jax.ShapeDtypeStruct((B, H), jnp.float32),
        ),
        mesh=mesh,
        compiler_params=pltpu.CompilerParams(needs_layout_passes=False),
        scratch_types=[
            pltpu.VMEM((BPW,), jnp.int32),
            pltpu.VMEM((BPW,), jnp.int32),
            pltpu.VMEM((PASS, H), jnp.float32),
            pltpu.VMEM((PASS, H), jnp.float32),
            pltpu.SemaphoreType.DMA,
            pltpu.SemaphoreType.DMA,
        ],
    )
    def sc_gather(uidx_hbm, bidx_hbm, utab_hbm, btab_hbm,
                  uout_hbm, bout_hbm,
                  uidx_v, bidx_v, urows, brows, semu, semb):
        wid = lax.axis_index("s") * NC + lax.axis_index("c")
        base = wid * BPW
        pltpu.sync_copy(uidx_hbm.at[pl.ds(base, BPW)], uidx_v)
        pltpu.sync_copy(bidx_hbm.at[pl.ds(base, BPW)], bidx_v)

        for p in range(BPW // PASS):
            copies = []
            for j in range(PASS // G):
                off = p * PASS + j * G
                copies.append(pltpu.async_copy(
                    utab_hbm.at[uidx_v.at[pl.ds(off, G)]],
                    urows.at[pl.ds(j * G, G)], semu))
                copies.append(pltpu.async_copy(
                    btab_hbm.at[bidx_v.at[pl.ds(off, G)]],
                    brows.at[pl.ds(j * G, G)], semb))
            for c in copies:
                c.wait()
            pltpu.sync_copy(urows, uout_hbm.at[pl.ds(base + p * PASS, PASS)])
            pltpu.sync_copy(brows, bout_hbm.at[pl.ds(base + p * PASS, PASS)])

    return sc_gather


BLK = 2048


def _tc_body(tag_ref, uf_ref, bf_ref, up_ref, bp_ref, w_ref, b_ref, out_ref):
    uf = uf_ref[...]
    bf = bf_ref[...]
    u = jnp.where(up_ref[...] == 1, uf[:, D:], uf[:, :D])
    bk = jnp.where(bp_ref[...] == 1, bf[:, D:], bf[:, :D])
    proj = jnp.dot(tag_ref[...], w_ref[...],
                   preferred_element_type=jnp.float32) + b_ref[...]
    out_ref[...] = jnp.sum(u * (bk + proj), axis=1)


def _tc_combine(tag, u_sup, b_sup, u_par, b_par, w_lin, b2d):
    return pl.pallas_call(
        _tc_body,
        grid=(B // BLK,),
        in_specs=[
            pl.BlockSpec((BLK, H), lambda i: (i, 0)),
            pl.BlockSpec((BLK, H), lambda i: (i, 0)),
            pl.BlockSpec((BLK, H), lambda i: (i, 0)),
            pl.BlockSpec((BLK, 1), lambda i: (i, 0)),
            pl.BlockSpec((BLK, 1), lambda i: (i, 0)),
            pl.BlockSpec((H, D), lambda i: (0, 0)),
            pl.BlockSpec((1, D), lambda i: (0, 0)),
        ],
        out_specs=pl.BlockSpec((BLK,), lambda i: (i,)),
        out_shape=jax.ShapeDtypeStruct((B,), jnp.float32),
    )(tag, u_sup, b_sup, u_par, b_par, w_lin, b2d)


def kernel(user, book, tag_embedding, user_table, book_table, W_lin, b_lin):
    u_super = lax.shift_right_logical(user, 1)
    b_super = lax.shift_right_logical(book, 1)
    u_par = lax.bitwise_and(user, 1).reshape(B, 1)
    b_par = lax.bitwise_and(book, 1).reshape(B, 1)
    utab2 = user_table.reshape(-1, H)
    btab2 = book_table.reshape(-1, H)
    u_sup, b_sup = _build_sc_gather()(u_super, b_super, utab2, btab2)
    return _tc_combine(tag_embedding, u_sup, b_sup, u_par, b_par,
                       W_lin, b_lin.reshape(1, D))

# --- scband reference (transcript-rebuilt; emitter-appended) ---
"""Pipeline reference for scband-matrix-factorization-14474039787713 (READ-ONLY COPY).

The authoritative reference and input builder live on the scoring server;
editing this copy changes nothing except your own understanding.
"""

import jax, jax.numpy as jnp
import numpy as np

NUM_USERS = 1000000
NUM_BOOKS = 100000
EMBED_DIM = 64
HIDDEN_STATE = 128
BATCH = 16384

def setup_inputs(seed: int = 0) -> dict:
    key = jax.random.key(seed)
    k_user, k_book, k_tag, k_ut, k_bt, k_w, k_b = jax.random.split(key, 7)
    user = jax.random.randint(k_user, (BATCH,), 0, NUM_USERS, dtype=jnp.int64 if jax.config.jax_enable_x64 else jnp.int32).astype(jnp.int32)
    book = jax.random.randint(k_book, (BATCH,), 0, NUM_BOOKS).astype(jnp.int32)
    tag_embedding = jax.random.normal(k_tag, (BATCH, HIDDEN_STATE), dtype=jnp.float32)
    user_table = jax.random.normal(k_ut, (NUM_USERS, EMBED_DIM), dtype=jnp.float32) * 0.02
    book_table = jax.random.normal(k_bt, (NUM_BOOKS, EMBED_DIM), dtype=jnp.float32) * 0.02
    W_lin = jax.random.normal(k_w, (HIDDEN_STATE, EMBED_DIM), dtype=jnp.float32) * (1.0 / np.sqrt(HIDDEN_STATE))
    b_lin = jnp.zeros((EMBED_DIM,), dtype=jnp.float32)
    return {"user": user, "book": book, "tag_embedding": tag_embedding,
            "user_table": user_table, "book_table": book_table,
            "W_lin": W_lin, "b_lin": b_lin}

def reference(user, book, tag_embedding, user_table, book_table, W_lin, b_lin):
    user_embedding = jnp.take(user_table, user, axis=0)
    book_embedding = jnp.take(book_table, book, axis=0)
    tag_embedding_proj = tag_embedding @ W_lin + b_lin
    book_integrate = book_embedding + tag_embedding_proj
    return (user_embedding * book_integrate).sum(axis=1)

if __name__ == "__main__":
    import jax
    _d = setup_inputs()
    print(jax.jit(kernel)(*tuple(_d.values())))

</pallas_src>

<mosaic_0001>
#map = affine_map<(d0, d1) -> (0)>
#map1 = affine_map<(d0, d1) -> (0, 0)>
module attributes {stable_mosaic.version = 14 : i64} {
  func.func @sc_gather(%arg0: i32, %arg1: i32, %arg2: memref<16384xi32, #tpu.memory_space<hbm>>, %arg3: memref<16384xi32, #tpu.memory_space<hbm>>, %arg4: memref<500000x128xf32, #tpu.memory_space<hbm>>, %arg5: memref<50000x128xf32, #tpu.memory_space<hbm>>, %arg6: memref<16384x128xf32, #tpu.memory_space<hbm>>, %arg7: memref<16384x128xf32, #tpu.memory_space<hbm>>, %arg8: memref<512xi32, #tpu.memory_space<vmem>>, %arg9: memref<512xi32, #tpu.memory_space<vmem>>, %arg10: memref<256x128xf32, #tpu.memory_space<vmem>>, %arg11: memref<256x128xf32, #tpu.memory_space<vmem>>, %arg12: memref<!tpu.dma_semaphore, #tpu.memory_space<semaphore_mem>>, %arg13: memref<!tpu.dma_semaphore, #tpu.memory_space<semaphore_mem>>) attributes {dimension_semantics = [#tpu.dimension_semantics<core_parallel>, #tpu.dimension_semantics<subcore_parallel>], iteration_bounds = array<i64: 2, 16>, scalar_prefetch = 0 : i64, scratch_operands = 6 : i64, tpu.core_type = #tpu.core_type<sc_vector_subcore>, window_params = [{transform_indices = #map}, {transform_indices = #map}, {transform_indices = #map1}, {transform_indices = #map1}, {transform_indices = #map1}, {transform_indices = #map1}]} {
    %mul3A = arith.constant 2 : i32
    %mul3A_0 = arith.muli %arg1, %mul3A : i32
    %add3A = arith.addi %mul3A_0, %arg0 : i32
    %mul3A_1 = arith.constant 512 : i32
    %mul3A_2 = arith.muli %add3A, %mul3A_1 : i32
    "tpu.region"() ({
      %run_scoped3A = tpu.sem_alloc : memref<!tpu.dma_semaphore, #tpu.memory_space<semaphore_mem>>
      %dma_start3A_137 = tpu.memref_slice %arg2[%mul3A_2] : memref<16384xi32, #tpu.memory_space<hbm>> -> memref<512xi32, #tpu.memory_space<hbm>>
      %dma_start3A_138 = tpu.memref_slice %arg2[%mul3A_2] : memref<16384xi32, #tpu.memory_space<hbm>> -> memref<512xi32, #tpu.memory_space<hbm>>
      tpu.enqueue_dma source(%dma_start3A_138 : memref<512xi32, #tpu.memory_space<hbm>>) target(%arg8 : memref<512xi32, #tpu.memory_space<vmem>>) target_semaphore(%run_scoped3A : memref<!tpu.dma_semaphore, #tpu.memory_space<semaphore_mem>>)
      %dma_wait3A_139 = tpu.memref_slice %arg2[%mul3A_2] : memref<16384xi32, #tpu.memory_space<hbm>> -> memref<512xi32, #tpu.memory_space<hbm>>
      %dma_wait3A_140 = tpu.memref_slice %arg2[%mul3A_2] : memref<16384xi32, #tpu.memory_space<hbm>> -> memref<512xi32, #tpu.memory_space<hbm>>
      tpu.wait_dma2 semaphore(%run_scoped3A : memref<!tpu.dma_semaphore, #tpu.memory_space<semaphore_mem>>) src(%dma_wait3A_140 : memref<512xi32, #tpu.memory_space<hbm>>) dst(%arg8 : memref<512xi32, #tpu.memory_space<vmem>>)
      tpu.yield
    }) : () -> ()
    "tpu.region"() ({
      %run_scoped3A = tpu.sem_alloc : memref<!tpu.dma_semaphore, #tpu.memory_space<semaphore_mem>>
      %dma_start3A_137 = tpu.memref_slice %arg3[%mul3A_2] : memref<16384xi32, #tpu.memory_space<hbm>> -> memref<512xi32, #tpu.memory_space<hbm>>
      %dma_start3A_138 = tpu.memref_slice %arg3[%mul3A_2] : memref<16384xi32, #tpu.memory_space<hbm>> -> memref<512xi32, #tpu.memory_space<hbm>>
      tpu.enqueue_dma source(%dma_start3A_138 : memref<512xi32, #tpu.memory_space<hbm>>) target(%arg9 : memref<512xi32, #tpu.memory_space<vmem>>) target_semaphore(%run_scoped3A : memref<!tpu.dma_semaphore, #tpu.memory_space<semaphore_mem>>)
      %dma_wait3A_139 = tpu.memref_slice %arg3[%mul3A_2] : memref<16384xi32, #tpu.memory_space<hbm>> -> memref<512xi32, #tpu.memory_space<hbm>>
      %dma_wait3A_140 = tpu.memref_slice %arg3[%mul3A_2] : memref<16384xi32, #tpu.memory_space<hbm>> -> memref<512xi32, #tpu.memory_space<hbm>>
      tpu.wait_dma2 semaphore(%run_scoped3A : memref<!tpu.dma_semaphore, #tpu.memory_space<semaphore_mem>>) src(%dma_wait3A_140 : memref<512xi32, #tpu.memory_space<hbm>>) dst(%arg9 : memref<512xi32, #tpu.memory_space<vmem>>)
      tpu.yield
    }) : () -> ()
    %dma_start3A = arith.constant 0 : i32
    %dma_start3A_3 = arith.constant 0 : i32
    %dma_start3A_4 = tpu.memref_slice %arg10[%dma_start3A, %dma_start3A_3] : memref<256x128xf32, #tpu.memory_space<vmem>> -> memref<128x128xf32, #tpu.memory_space<vmem>>
    %dma_start3A_5 = arith.constant 0 : i32
    %dma_start3A_6 = tpu.memref_slice %arg8[%dma_start3A_5] : memref<512xi32, #tpu.memory_space<vmem>> -> memref<128xi32, #tpu.memory_space<vmem>>
    %dma_start3A_7 = arith.constant 0 : i32
    %dma_start3A_8 = arith.constant 0 : i32
    %dma_start3A_9 = tpu.memref_slice %arg4[%dma_start3A_7, %dma_start3A_8] : memref<500000x128xf32, #tpu.memory_space<hbm>> -> memref<500000x128xf32, #tpu.memory_space<hbm>>
    tpu.enqueue_indirect_dma source(%dma_start3A_9 : memref<500000x128xf32, #tpu.memory_space<hbm>>) target(%dma_start3A_4 : memref<128x128xf32, #tpu.memory_space<vmem>>) offsets(%dma_start3A_6 : memref<128xi32, #tpu.memory_space<vmem>>) semaphore(%arg12 : memref<!tpu.dma_semaphore, #tpu.memory_space<semaphore_mem>>)
    %dma_start3A_10 = arith.constant 0 : i32
    %dma_start3A_11 = arith.constant 0 : i32
    %dma_start3A_12 = tpu.memref_slice %arg11[%dma_start3A_10, %dma_start3A_11] : memref<256x128xf32, #tpu.memory_space<vmem>> -> memref<128x128xf32, #tpu.memory_space<vmem>>
    %dma_start3A_13 = arith.constant 0 : i32
    %dma_start3A_14 = tpu.memref_slice %arg9[%dma_start3A_13] : memref<512xi32, #tpu.memory_space<vmem>> -> memref<128xi32, #tpu.memory_space<vmem>>
    %dma_start3A_15 = arith.constant 0 : i32
    %dma_start3A_16 = arith.constant 0 : i32
    %dma_start3A_17 = tpu.memref_slice %arg5[%dma_start3A_15, %dma_start3A_16] : memref<50000x128xf32, #tpu.memory_space<hbm>> -> memref<50000x128xf32, #tpu.memory_space<hbm>>
    tpu.enqueue_indirect_dma source(%dma_start3A_17 : memref<50000x128xf32, #tpu.memory_space<hbm>>) target(%dma_start3A_12 : memref<128x128xf32, #tpu.memory_space<vmem>>) offsets(%dma_start3A_14 : memref<128xi32, #tpu.memory_space<vmem>>) semaphore(%arg13 : memref<!tpu.dma_semaphore, #tpu.memory_space<semaphore_mem>>)
    %dma_start3A_18 = arith.constant 128 : i32
    %dma_start3A_19 = arith.constant 0 : i32
    %dma_start3A_20 = tpu.memref_slice %arg10[%dma_start3A_18, %dma_start3A_19] : memref<256x128xf32, #tpu.memory_space<vmem>> -> memref<128x128xf32, #tpu.memory_space<vmem>>
    %dma_start3A_21 = arith.constant 128 : i32
    %dma_start3A_22 = tpu.memref_slice %arg8[%dma_start3A_21] : memref<512xi32, #tpu.memory_space<vmem>> -> memref<128xi32, #tpu.memory_space<vmem>>
    %dma_start3A_23 = arith.constant 0 : i32
    %dma_start3A_24 = arith.constant 0 : i32
    %dma_start3A_25 = tpu.memref_slice %arg4[%dma_start3A_23, %dma_start3A_24] : memref<500000x128xf32, #tpu.memory_space<hbm>> -> memref<500000x128xf32, #tpu.memory_space<hbm>>
    tpu.enqueue_indirect_dma source(%dma_start3A_25 : memref<500000x128xf32, #tpu.memory_space<hbm>>) target(%dma_start3A_20 : memref<128x128xf32, #tpu.memory_space<vmem>>) offsets(%dma_start3A_22 : memref<128xi32, #tpu.memory_space<vmem>>) semaphore(%arg12 : memref<!tpu.dma_semaphore, #tpu.memory_space<semaphore_mem>>)
    %dma_start3A_26 = arith.constant 128 : i32
    %dma_start3A_27 = arith.constant 0 : i32
    %dma_start3A_28 = tpu.memref_slice %arg11[%dma_start3A_26, %dma_start3A_27] : memref<256x128xf32, #tpu.memory_space<vmem>> -> memref<128x128xf32, #tpu.memory_space<vmem>>
    %dma_start3A_29 = arith.constant 128 : i32
    %dma_start3A_30 = tpu.memref_slice %arg9[%dma_start3A_29] : memref<512xi32, #tpu.memory_space<vmem>> -> memref<128xi32, #tpu.memory_space<vmem>>
    %dma_start3A_31 = arith.constant 0 : i32
    %dma_start3A_32 = arith.constant 0 : i32
    %dma_start3A_33 = tpu.memref_slice %arg5[%dma_start3A_31, %dma_start3A_32] : memref<50000x128xf32, #tpu.memory_space<hbm>> -> memref<50000x128xf32, #tpu.memory_space<hbm>>
    tpu.enqueue_indirect_dma source(%dma_start3A_33 : memref<50000x128xf32, #tpu.memory_space<hbm>>) target(%dma_start3A_28 : memref<128x128xf32, #tpu.memory_space<vmem>>) offsets(%dma_start3A_30 : memref<128xi32, #tpu.memory_space<vmem>>) semaphore(%arg13 : memref<!tpu.dma_semaphore, #tpu.memory_space<semaphore_mem>>)
    %dma_wait3A = arith.constant 0 : i32
    %dma_wait3A_34 = arith.constant 0 : i32
    %dma_wait3A_35 = tpu.memref_slice %arg10[%dma_wait3A, %dma_wait3A_34] : memref<256x128xf32, #tpu.memory_space<vmem>> -> memref<128x128xf32, #tpu.memory_space<vmem>>
    %dma_wait3A_36 = arith.constant 0 : i32
    %dma_wait3A_37 = tpu.memref_slice %arg8[%dma_wait3A_36] : memref<512xi32, #tpu.memory_space<vmem>> -> memref<128xi32, #tpu.memory_space<vmem>>
    %dma_wait3A_38 = arith.constant 0 : i32
    %dma_wait3A_39 = arith.constant 0 : i32
    %dma_wait3A_40 = tpu.memref_slice %arg4[%dma_wait3A_38, %dma_wait3A_39] : memref<500000x128xf32, #tpu.memory_space<hbm>> -> memref<500000x128xf32, #tpu.memory_space<hbm>>
    tpu.wait_indirect_dma semaphore(%arg12 : memref<!tpu.dma_semaphore, #tpu.memory_space<semaphore_mem>>) src(%dma_wait3A_40 : memref<500000x128xf32, #tpu.memory_space<hbm>>) dst(%dma_wait3A_35 : memref<128x128xf32, #tpu.memory_space<vmem>>)
    %dma_wait3A_41 = arith.constant 0 : i32
    %dma_wait3A_42 = arith.constant 0 : i32
    %dma_wait3A_43 = tpu.memref_slice %arg11[%dma_wait3A_41, %dma_wait3A_42] : memref<256x128xf32, #tpu.memory_space<vmem>> -> memref<128x128xf32, #tpu.memory_space<vmem>>
    %dma_wait3A_44 = arith.constant 0 : i32
    %dma_wait3A_45 = tpu.memref_slice %arg9[%dma_wait3A_44] : memref<512xi32, #tpu.memory_space<vmem>> -> memref<128xi32, #tpu.memory_space<vmem>>
    %dma_wait3A_46 = arith.constant 0 : i32
    %dma_wait3A_47 = arith.constant 0 : i32
    %dma_wait3A_48 = tpu.memref_slice %arg5[%dma_wait3A_46, %dma_wait3A_47] : memref<50000x128xf32, #tpu.memory_space<hbm>> -> memref<50000x128xf32, #tpu.memory_space<hbm>>
    tpu.wait_indirect_dma semaphore(%arg13 : memref<!tpu.dma_semaphore, #tpu.memory_space<semaphore_mem>>) src(%dma_wait3A_48 : memref<50000x128xf32, #tpu.memory_space<hbm>>) dst(%dma_wait3A_43 : memref<128x128xf32, #tpu.memory_space<vmem>>)
    %dma_wait3A_49 = arith.constant 128 : i32
    %dma_wait3A_50 = arith.constant 0 : i32
    %dma_wait3A_51 = tpu.memref_slice %arg10[%dma_wait3A_49, %dma_wait3A_50] : memref<256x128xf32, #tpu.memory_space<vmem>> -> memref<128x128xf32, #tpu.memory_space<vmem>>
    %dma_wait3A_52 = arith.constant 128 : i32
    %dma_wait3A_53 = tpu.memref_slice %arg8[%dma_wait3A_52] : memref<512xi32, #tpu.memory_space<vmem>> -> memref<128xi32, #tpu.memory_space<vmem>>
    %dma_wait3A_54 = arith.constant 0 : i32
    %dma_wait3A_55 = arith.constant 0 : i32
    %dma_wait3A_56 = tpu.memref_slice %arg4[%dma_wait3A_54, %dma_wait3A_55] : memref<500000x128xf32, #tpu.memory_space<hbm>> -> memref<500000x128xf32, #tpu.memory_space<hbm>>
    tpu.wait_indirect_dma semaphore(%arg12 : memref<!tpu.dma_semaphore, #tpu.memory_space<semaphore_mem>>) src(%dma_wait3A_56 : memref<500000x128xf32, #tpu.memory_space<hbm>>) dst(%dma_wait3A_51 : memref<128x128xf32, #tpu.memory_space<vmem>>)
    %dma_wait3A_57 = arith.constant 128 : i32
    %dma_wait3A_58 = arith.constant 0 : i32
    %dma_wait3A_59 = tpu.memref_slice %arg11[%dma_wait3A_57, %dma_wait3A_58] : memref<256x128xf32, #tpu.memory_space<vmem>> -> memref<128x128xf32, #tpu.memory_space<vmem>>
    %dma_wait3A_60 = arith.constant 128 : i32
    %dma_wait3A_61 = tpu.memref_slice %arg9[%dma_wait3A_60] : memref<512xi32, #tpu.memory_space<vmem>> -> memref<128xi32, #tpu.memory_space<vmem>>
    %dma_wait3A_62 = arith.constant 0 : i32
    %dma_wait3A_63 = arith.constant 0 : i32
    %dma_wait3A_64 = tpu.memref_slice %arg5[%dma_wait3A_62, %dma_wait3A_63] : memref<50000x128xf32, #tpu.memory_space<hbm>> -> memref<50000x128xf32, #tpu.memory_space<hbm>>
    tpu.wait_indirect_dma semaphore(%arg13 : memref<!tpu.dma_semaphore, #tpu.memory_space<semaphore_mem>>) src(%dma_wait3A_64 : memref<50000x128xf32, #tpu.memory_space<hbm>>) dst(%dma_wait3A_59 : memref<128x128xf32, #tpu.memory_space<vmem>>)
    %add3A_65 = arith.constant 0 : i32
    %add3A_66 = arith.addi %mul3A_2, %add3A_65 : i32
    "tpu.region"() ({
      %run_scoped3A = tpu.sem_alloc : memref<!tpu.dma_semaphore, #tpu.memory_space<semaphore_mem>>
      %dma_start3A_137 = arith.constant 0 : i32
      %dma_start3A_138 = tpu.memref_slice %arg6[%add3A_66, %dma_start3A_137] : memref<16384x128xf32, #tpu.memory_space<hbm>> -> memref<256x128xf32, #tpu.memory_space<hbm>>
      %dma_start3A_139 = arith.constant 0 : i32
      %dma_start3A_140 = tpu.memref_slice %arg6[%add3A_66, %dma_start3A_139] : memref<16384x128xf32, #tpu.memory_space<hbm>> -> memref<256x128xf32, #tpu.memory_space<hbm>>
      tpu.enqueue_dma source(%arg10 : memref<256x128xf32, #tpu.memory_space<vmem>>) target(%dma_start3A_140 : memref<256x128xf32, #tpu.memory_space<hbm>>) target_semaphore(%run_scoped3A : memref<!tpu.dma_semaphore, #tpu.memory_space<semaphore_mem>>)
      %dma_wait3A_141 = arith.constant 0 : i32
      %dma_wait3A_142 = tpu.memref_slice %arg6[%add3A_66, %dma_wait3A_141] : memref<16384x128xf32, #tpu.memory_space<hbm>> -> memref<256x128xf32, #tpu.memory_space<hbm>>
      %dma_wait3A_143 = arith.constant 0 : i32
      %dma_wait3A_144 = tpu.memref_slice %arg6[%add3A_66, %dma_wait3A_143] : memref<16384x128xf32, #tpu.memory_space<hbm>> -> memref<256x128xf32, #tpu.memory_space<hbm>>
      tpu.wait_dma2 semaphore(%run_scoped3A : memref<!tpu.dma_semaphore, #tpu.memory_space<semaphore_mem>>) src(%arg10 : memref<256x128xf32, #tpu.memory_space<vmem>>) dst(%dma_wait3A_144 : memref<256x128xf32, #tpu.memory_space<hbm>>)
      tpu.yield
    }) : () -> ()
    %add3A_67 = arith.constant 0 : i32
    %add3A_68 = arith.addi %mul3A_2, %add3A_67 : i32
    "tpu.region"() ({
      %run_scoped3A = tpu.sem_alloc : memref<!tpu.dma_semaphore, #tpu.memory_space<semaphore_mem>>
      %dma_start3A_137 = arith.constant 0 : i32
      %dma_start3A_138 = tpu.memref_slice %arg7[%add3A_68, %dma_start3A_137] : memref<16384x128xf32, #tpu.memory_space<hbm>> -> memref<256x128xf32, #tpu.memory_space<hbm>>
      %dma_start3A_139 = arith.constant 0 : i32
      %dma_start3A_140 = tpu.memref_slice %arg7[%add3A_68, %dma_start3A_139] : memref<16384x128xf32, #tpu.memory_space<hbm>> -> memref<256x128xf32, #tpu.memory_space<hbm>>
      tpu.enqueue_dma source(%arg11 : memref<256x128xf32, #tpu.memory_space<vmem>>) target(%dma_start3A_140 : memref<256x128xf32, #tpu.memory_space<hbm>>) target_semaphore(%run_scoped3A : memref<!tpu.dma_semaphore, #tpu.memory_space<semaphore_mem>>)
      %dma_wait3A_141 = arith.constant 0 : i32
      %dma_wait3A_142 = tpu.memref_slice %arg7[%add3A_68, %dma_wait3A_141] : memref<16384x128xf32, #tpu.memory_space<hbm>> -> memref<256x128xf32, #tpu.memory_space<hbm>>
      %dma_wait3A_143 = arith.constant 0 : i32
      %dma_wait3A_144 = tpu.memref_slice %arg7[%add3A_68, %dma_wait3A_143] : memref<16384x128xf32, #tpu.memory_space<hbm>> -> memref<256x128xf32, #tpu.memory_space<hbm>>
      tpu.wait_dma2 semaphore(%run_scoped3A : memref<!tpu.dma_semaphore, #tpu.memory_space<semaphore_mem>>) src(%arg11 : memref<256x128xf32, #tpu.memory_space<vmem>>) dst(%dma_wait3A_144 : memref<256x128xf32, #tpu.memory_space<hbm>>)
      tpu.yield
    }) : () -> ()
    %dma_start3A_69 = arith.constant 0 : i32
    %dma_start3A_70 = arith.constant 0 : i32
    %dma_start3A_71 = tpu.memref_slice %arg10[%dma_start3A_69, %dma_start3A_70] : memref<256x128xf32, #tpu.memory_space<vmem>> -> memref<128x128xf32, #tpu.memory_space<vmem>>
    %dma_start3A_72 = arith.constant 256 : i32
    %dma_start3A_73 = tpu.memref_slice %arg8[%dma_start3A_72] : memref<512xi32, #tpu.memory_space<vmem>> -> memref<128xi32, #tpu.memory_space<vmem>>
    %dma_start3A_74 = arith.constant 0 : i32
    %dma_start3A_75 = arith.constant 0 : i32
    %dma_start3A_76 = tpu.memref_slice %arg4[%dma_start3A_74, %dma_start3A_75] : memref<500000x128xf32, #tpu.memory_space<hbm>> -> memref<500000x128xf32, #tpu.memory_space<hbm>>
    tpu.enqueue_indirect_dma source(%dma_start3A_76 : memref<500000x128xf32, #tpu.memory_space<hbm>>) target(%dma_start3A_71 : memref<128x128xf32, #tpu.memory_space<vmem>>) offsets(%dma_start3A_73 : memref<128xi32, #tpu.memory_space<vmem>>) semaphore(%arg12 : memref<!tpu.dma_semaphore, #tpu.memory_space<semaphore_mem>>)
    %dma_start3A_77 = arith.constant 0 : i32
    %dma_start3A_78 = arith.constant 0 : i32
    %dma_start3A_79 = tpu.memref_slice %arg11[%dma_start3A_77, %dma_start3A_78] : memref<256x128xf32, #tpu.memory_space<vmem>> -> memref<128x128xf32, #tpu.memory_space<vmem>>
    %dma_start3A_80 = arith.constant 256 : i32
    %dma_start3A_81 = tpu.memref_slice %arg9[%dma_start3A_80] : memref<512xi32, #tpu.memory_space<vmem>> -> memref<128xi32, #tpu.memory_space<vmem>>
    %dma_start3A_82 = arith.constant 0 : i32
    %dma_start3A_83 = arith.constant 0 : i32
    %dma_start3A_84 = tpu.memref_slice %arg5[%dma_start3A_82, %dma_start3A_83] : memref<50000x128xf32, #tpu.memory_space<hbm>> -> memref<50000x128xf32, #tpu.memory_space<hbm>>
    tpu.enqueue_indirect_dma source(%dma_start3A_84 : memref<50000x128xf32, #tpu.memory_space<hbm>>) target(%dma_start3A_79 : memref<128x128xf32, #tpu.memory_space<vmem>>) offsets(%dma_start3A_81 : memref<128xi32, #tpu.memory_space<vmem>>) semaphore(%arg13 : memref<!tpu.dma_semaphore, #tpu.memory_space<semaphore_mem>>)
    %dma_start3A_85 = arith.constant 128 : i32
    %dma_start3A_86 = arith.constant 0 : i32
    %dma_start3A_87 = tpu.memref_slice %arg10[%dma_start3A_85, %dma_start3A_86] : memref<256x128xf32, #tpu.memory_space<vmem>> -> memref<128x128xf32, #tpu.memory_space<vmem>>
    %dma_start3A_88 = arith.constant 384 : i32
    %dma_start3A_89 = tpu.memref_slice %arg8[%dma_start3A_88] : memref<512xi32, #tpu.memory_space<vmem>> -> memref<128xi32, #tpu.memory_space<vmem>>
    %dma_start3A_90 = arith.constant 0 : i32
    %dma_start3A_91 = arith.constant 0 : i32
    %dma_start3A_92 = tpu.memref_slice %arg4[%dma_start3A_90, %dma_start3A_91] : memref<500000x128xf32, #tpu.memory_space<hbm>> -> memref<500000x128xf32, #tpu.memory_space<hbm>>
    tpu.enqueue_indirect_dma source(%dma_start3A_92 : memref<500000x128xf32, #tpu.memory_space<hbm>>) target(%dma_start3A_87 : memref<128x128xf32, #tpu.memory_space<vmem>>) offsets(%dma_start3A_89 : memref<128xi32, #tpu.memory_space<vmem>>) semaphore(%arg12 : memref<!tpu.dma_semaphore, #tpu.memory_space<semaphore_mem>>)
    %dma_start3A_93 = arith.constant 128 : i32
    %dma_start3A_94 = arith.constant 0 : i32
    %dma_start3A_95 = tpu.memref_slice %arg11[%dma_start3A_93, %dma_start3A_94] : memref<256x128xf32, #tpu.memory_space<vmem>> -> memref<128x128xf32, #tpu.memory_space<vmem>>
    %dma_start3A_96 = arith.constant 384 : i32
    %dma_start3A_97 = tpu.memref_slice %arg9[%dma_start3A_96] : memref<512xi32, #tpu.memory_space<vmem>> -> memref<128xi32, #tpu.memory_space<vmem>>
    %dma_start3A_98 = arith.constant 0 : i32
    %dma_start3A_99 = arith.constant 0 : i32
    %dma_start3A_100 = tpu.memref_slice %arg5[%dma_start3A_98, %dma_start3A_99] : memref<50000x128xf32, #tpu.memory_space<hbm>> -> memref<50000x128xf32, #tpu.memory_space<hbm>>
    tpu.enqueue_indirect_dma source(%dma_start3A_100 : memref<50000x128xf32, #tpu.memory_space<hbm>>) target(%dma_start3A_95 : memref<128x128xf32, #tpu.memory_space<vmem>>) offsets(%dma_start3A_97 : memref<128xi32, #tpu.memory_space<vmem>>) semaphore(%arg13 : memref<!tpu.dma_semaphore, #tpu.memory_space<semaphore_mem>>)
    %dma_wait3A_101 = arith.constant 0 : i32
    %dma_wait3A_102 = arith.constant 0 : i32
    %dma_wait3A_103 = tpu.memref_slice %arg10[%dma_wait3A_101, %dma_wait3A_102] : memref<256x128xf32, #tpu.memory_space<vmem>> -> memref<128x128xf32, #tpu.memory_space<vmem>>
    %dma_wait3A_104 = arith.constant 256 : i32
    %dma_wait3A_105 = tpu.memref_slice %arg8[%dma_wait3A_104] : memref<512xi32, #tpu.memory_space<vmem>> -> memref<128xi32, #tpu.memory_space<vmem>>
    %dma_wait3A_106 = arith.constant 0 : i32
    %dma_wait3A_107 = arith.constant 0 : i32
    %dma_wait3A_108 = tpu.memref_slice %arg4[%dma_wait3A_106, %dma_wait3A_107] : memref<500000x128xf32, #tpu.memory_space<hbm>> -> memref<500000x128xf32, #tpu.memory_space<hbm>>
    tpu.wait_indirect_dma semaphore(%arg12 : memref<!tpu.dma_semaphore, #tpu.memory_space<semaphore_mem>>) src(%dma_wait3A_108 : memref<500000x128xf32, #tpu.memory_space<hbm>>) dst(%dma_wait3A_103 : memref<128x128xf32, #tpu.memory_space<vmem>>)
    %dma_wait3A_109 = arith.constant 0 : i32
    %dma_wait3A_110 = arith.constant 0 : i32
    %dma_wait3A_111 = tpu.memref_slice %arg11[%dma_wait3A_109, %dma_wait3A_110] : memref<256x128xf32, #tpu.memory_space<vmem>> -> memref<128x128xf32, #tpu.memory_space<vmem>>
    %dma_wait3A_112 = arith.constant 256 : i32
    %dma_wait3A_113 = tpu.memref_slice %arg9[%dma_wait3A_112] : memref<512xi32, #tpu.memory_space<vmem>> -> memref<128xi32, #tpu.memory_space<vmem>>
    %dma_wait3A_114 = arith.constant 0 : i32
    %dma_wait3A_115 = arith.constant 0 : i32
    %dma_wait3A_116 = tpu.memref_slice %arg5[%dma_wait3A_114, %dma_wait3A_115] : memref<50000x128xf32, #tpu.memory_space<hbm>> -> memref<50000x128xf32, #tpu.memory_space<hbm>>
    tpu.wait_indirect_dma semaphore(%arg13 : memref<!tpu.dma_semaphore, #tpu.memory_space<semaphore_mem>>) src(%dma_wait3A_116 : memref<50000x128xf32, #tpu.memory_space<hbm>>) dst(%dma_wait3A_111 : memref<128x128xf32, #tpu.memory_space<vmem>>)
    %dma_wait3A_117 = arith.constant 128 : i32
    %dma_wait3A_118 = arith.constant 0 : i32
    %dma_wait3A_119 = tpu.memref_slice %arg10[%dma_wait3A_117, %dma_wait3A_118] : memref<256x128xf32, #tpu.memory_space<vmem>> -> memref<128x128xf32, #tpu.memory_space<vmem>>
    %dma_wait3A_120 = arith.constant 384 : i32
    %dma_wait3A_121 = tpu.memref_slice %arg8[%dma_wait3A_120] : memref<512xi32, #tpu.memory_space<vmem>> -> memref<128xi32, #tpu.memory_space<vmem>>
    %dma_wait3A_122 = arith.constant 0 : i32
    %dma_wait3A_123 = arith.constant 0 : i32
    %dma_wait3A_124 = tpu.memref_slice %arg4[%dma_wait3A_122, %dma_wait3A_123] : memref<500000x128xf32, #tpu.memory_space<hbm>> -> memref<500000x128xf32, #tpu.memory_space<hbm>>
    tpu.wait_indirect_dma semaphore(%arg12 : memref<!tpu.dma_semaphore, #tpu.memory_space<semaphore_mem>>) src(%dma_wait3A_124 : memref<500000x128xf32, #tpu.memory_space<hbm>>) dst(%dma_wait3A_119 : memref<128x128xf32, #tpu.memory_space<vmem>>)
    %dma_wait3A_125 = arith.constant 128 : i32
    %dma_wait3A_126 = arith.constant 0 : i32
    %dma_wait3A_127 = tpu.memref_slice %arg11[%dma_wait3A_125, %dma_wait3A_126] : memref<256x128xf32, #tpu.memory_space<vmem>> -> memref<128x128xf32, #tpu.memory_space<vmem>>
    %dma_wait3A_128 = arith.constant 384 : i32
    %dma_wait3A_129 = tpu.memref_slice %arg9[%dma_wait3A_128] : memref<512xi32, #tpu.memory_space<vmem>> -> memref<128xi32, #tpu.memory_space<vmem>>
    %dma_wait3A_130 = arith.constant 0 : i32
    %dma_wait3A_131 = arith.constant 0 : i32
    %dma_wait3A_132 = tpu.memref_slice %arg5[%dma_wait3A_130, %dma_wait3A_131] : memref<50000x128xf32, #tpu.memory_space<hbm>> -> memref<50000x128xf32, #tpu.memory_space<hbm>>
    tpu.wait_indirect_dma semaphore(%arg13 : memref<!tpu.dma_semaphore, #tpu.memory_space<semaphore_mem>>) src(%dma_wait3A_132 : memref<50000x128xf32, #tpu.memory_space<hbm>>) dst(%dma_wait3A_127 : memref<128x128xf32, #tpu.memory_space<vmem>>)
    %add3A_133 = arith.constant 256 : i32
    %add3A_134 = arith.addi %mul3A_2, %add3A_133 : i32
    "tpu.region"() ({
      %run_scoped3A = tpu.sem_alloc : memref<!tpu.dma_semaphore, #tpu.memory_space<semaphore_mem>>
      %dma_start3A_137 = arith.constant 0 : i32
      %dma_start3A_138 = tpu.memref_slice %arg6[%add3A_134, %dma_start3A_137] : memref<16384x128xf32, #tpu.memory_space<hbm>> -> memref<256x128xf32, #tpu.memory_space<hbm>>
      %dma_start3A_139 = arith.constant 0 : i32
      %dma_start3A_140 = tpu.memref_slice %arg6[%add3A_134, %dma_start3A_139] : memref<16384x128xf32, #tpu.memory_space<hbm>> -> memref<256x128xf32, #tpu.memory_space<hbm>>
      tpu.enqueue_dma source(%arg10 : memref<256x128xf32, #tpu.memory_space<vmem>>) target(%dma_start3A_140 : memref<256x128xf32, #tpu.memory_space<hbm>>) target_semaphore(%run_scoped3A : memref<!tpu.dma_semaphore, #tpu.memory_space<semaphore_mem>>)
      %dma_wait3A_141 = arith.constant 0 : i32
      %dma_wait3A_142 = tpu.memref_slice %arg6[%add3A_134, %dma_wait3A_141] : memref<16384x128xf32, #tpu.memory_space<hbm>> -> memref<256x128xf32, #tpu.memory_space<hbm>>
      %dma_wait3A_143 = arith.constant 0 : i32
      %dma_wait3A_144 = tpu.memref_slice %arg6[%add3A_134, %dma_wait3A_143] : memref<16384x128xf32, #tpu.memory_space<hbm>> -> memref<256x128xf32, #tpu.memory_space<hbm>>
      tpu.wait_dma2 semaphore(%run_scoped3A : memref<!tpu.dma_semaphore, #tpu.memory_space<semaphore_mem>>) src(%arg10 : memref<256x128xf32, #tpu.memory_space<vmem>>) dst(%dma_wait3A_144 : memref<256x128xf32, #tpu.memory_space<hbm>>)
      tpu.yield
    }) : () -> ()
    %add3A_135 = arith.constant 256 : i32
    %add3A_136 = arith.addi %mul3A_2, %add3A_135 : i32
    "tpu.region"() ({
      %run_scoped3A = tpu.sem_alloc : memref<!tpu.dma_semaphore, #tpu.memory_space<semaphore_mem>>
      %dma_start3A_137 = arith.constant 0 : i32
      %dma_start3A_138 = tpu.memref_slice %arg7[%add3A_136, %dma_start3A_137] : memref<16384x128xf32, #tpu.memory_space<hbm>> -> memref<256x128xf32, #tpu.memory_space<hbm>>
      %dma_start3A_139 = arith.constant 0 : i32
      %dma_start3A_140 = tpu.memref_slice %arg7[%add3A_136, %dma_start3A_139] : memref<16384x128xf32, #tpu.memory_space<hbm>> -> memref<256x128xf32, #tpu.memory_space<hbm>>
      tpu.enqueue_dma source(%arg11 : memref<256x128xf32, #tpu.memory_space<vmem>>) target(%dma_start3A_140 : memref<256x128xf32, #tpu.memory_space<hbm>>) target_semaphore(%run_scoped3A : memref<!tpu.dma_semaphore, #tpu.memory_space<semaphore_mem>>)
      %dma_wait3A_141 = arith.constant 0 : i32
      %dma_wait3A_142 = tpu.memref_slice %arg7[%add3A_136, %dma_wait3A_141] : memref<16384x128xf32, #tpu.memory_space<hbm>> -> memref<256x128xf32, #tpu.memory_space<hbm>>
      %dma_wait3A_143 = arith.constant 0 : i32
      %dma_wait3A_144 = tpu.memref_slice %arg7[%add3A_136, %dma_wait3A_143] : memref<16384x128xf32, #tpu.memory_space<hbm>> -> memref<256x128xf32, #tpu.memory_space<hbm>>
      tpu.wait_dma2 semaphore(%run_scoped3A : memref<!tpu.dma_semaphore, #tpu.memory_space<semaphore_mem>>) src(%arg11 : memref<256x128xf32, #tpu.memory_space<vmem>>) dst(%dma_wait3A_144 : memref<256x128xf32, #tpu.memory_space<hbm>>)
      tpu.yield
    }) : () -> ()
    return
  }
}

module attributes {stable_mosaic.version = 14 : i64} {
  func.func @_tc_body(%arg0: i32, %arg1: memref<2048x128xf32, #tpu.memory_space<vmem>>, %arg2: memref<2048x128xf32, #tpu.memory_space<vmem>>, %arg3: memref<2048x128xf32, #tpu.memory_space<vmem>>, %arg4: memref<2048x1xi32, #tpu.memory_space<vmem>>, %arg5: memref<2048x1xi32, #tpu.memory_space<vmem>>, %arg6: memref<128x64xf32, #tpu.memory_space<vmem>>, %arg7: memref<1x64xf32, #tpu.memory_space<vmem>>, %arg8: memref<2048xf32, #tpu.memory_space<vmem>>) attributes {dimension_semantics = [#tpu.dimension_semantics<arbitrary>], iteration_bounds = array<i64: 8>, scalar_prefetch = 0 : i64, scratch_operands = 0 : i64, tpu.core_type = #tpu.core_type<tc>, window_params = [{transform_indices = @transform_0, window_bounds = array<i64: 2048, 128>}, {transform_indices = @transform_1, window_bounds = array<i64: 2048, 128>}, {transform_indices = @transform_2, window_bounds = array<i64: 2048, 128>}, {transform_indices = @transform_3, window_bounds = array<i64: 2048, 1>}, {transform_indices = @transform_4, window_bounds = array<i64: 2048, 1>}, {pipeline_mode = #tpu.pipeline_mode<synchronous>, transform_indices = @transform_5, window_bounds = array<i64: 128, 64>}, {pipeline_mode = #tpu.pipeline_mode<synchronous>, transform_indices = @transform_6, window_bounds = array<i64: 1, 64>}, {transform_indices = @transform_7, window_bounds = array<i64: 2048>}]} {
    %get3A = arith.constant 0 : index
    %get3A_0 = arith.constant 0 : index
    %get3A_1 = vector.load %arg2[%get3A, %get3A_0] : memref<2048x128xf32, #tpu.memory_space<vmem>>, vector<2048x128xf32>
    %get3A_2 = arith.constant 0 : index
    %get3A_3 = arith.constant 0 : index
    %get3A_4 = vector.load %arg3[%get3A_2, %get3A_3] : memref<2048x128xf32, #tpu.memory_space<vmem>>, vector<2048x128xf32>
    %get3A_5 = arith.constant 0 : index
    %get3A_6 = arith.constant 0 : index
    %get3A_7 = vector.load %arg4[%get3A_5, %get3A_6] : memref<2048x1xi32, #tpu.memory_space<vmem>>, vector<2048x1xi32>
    %eq3A = arith.constant 1 : i32
    %eq3A_8 = vector.broadcast %eq3A : i32 to vector<2048x1xi32>
    %eq3A_9 = arith.cmpi eq, %get3A_7, %eq3A_8 : vector<2048x1xi32>
    %slice3A = vector.extract_strided_slice %get3A_1 {offsets = [0, 64], sizes = [2048, 64], strides = [1, 1]} : vector<2048x128xf32> to vector<2048x64xf32>
    %slice3A_10 = vector.extract_strided_slice %get3A_1 {offsets = [0, 0], sizes = [2048, 64], strides = [1, 1]} : vector<2048x128xf32> to vector<2048x64xf32>
    %broadcast_in_dim3A = vector.shape_cast %eq3A_9 : vector<2048x1xi1> to vector<2048x1xi1>
    %broadcast_in_dim3A_11 = vector.broadcast %broadcast_in_dim3A : vector<2048x1xi1> to vector<2048x64xi1>
    %select_n3A = arith.select %broadcast_in_dim3A_11, %slice3A, %slice3A_10 : vector<2048x64xi1>, vector<2048x64xf32>
    %get3A_12 = arith.constant 0 : index
    %get3A_13 = arith.constant 0 : index
    %get3A_14 = vector.load %arg5[%get3A_12, %get3A_13] : memref<2048x1xi32, #tpu.memory_space<vmem>>, vector<2048x1xi32>
    %eq3A_15 = arith.constant 1 : i32
    %eq3A_16 = vector.broadcast %eq3A_15 : i32 to vector<2048x1xi32>
    %eq3A_17 = arith.cmpi eq, %get3A_14, %eq3A_16 : vector<2048x1xi32>
    %slice3A_18 = vector.extract_strided_slice %get3A_4 {offsets = [0, 64], sizes = [2048, 64], strides = [1, 1]} : vector<2048x128xf32> to vector<2048x64xf32>
    %slice3A_19 = vector.extract_strided_slice %get3A_4 {offsets = [0, 0], sizes = [2048, 64], strides = [1, 1]} : vector<2048x128xf32> to vector<2048x64xf32>
    %broadcast_in_dim3A_20 = vector.shape_cast %eq3A_17 : vector<2048x1xi1> to vector<2048x1xi1>
    %broadcast_in_dim3A_21 = vector.broadcast %broadcast_in_dim3A_20 : vector<2048x1xi1> to vector<2048x64xi1>
    %select_n3A_22 = arith.select %broadcast_in_dim3A_21, %slice3A_18, %slice3A_19 : vector<2048x64xi1>, vector<2048x64xf32>
    %get3A_23 = arith.constant 0 : index
    %get3A_24 = arith.constant 0 : index
    %get3A_25 = vector.load %arg1[%get3A_23, %get3A_24] : memref<2048x128xf32, #tpu.memory_space<vmem>>, vector<2048x128xf32>
    %get3A_26 = arith.constant 0 : index
    %get3A_27 = arith.constant 0 : index
    %get3A_28 = vector.load %arg6[%get3A_26, %get3A_27] : memref<128x64xf32, #tpu.memory_space<vmem>>, vector<128x64xf32>
    %dot_general3A = arith.constant dense<0.000000e+00> : vector<2048x64xf32>
    %dot_general3A_29 = tpu.matmul %get3A_25, %get3A_28, %dot_general3A {dimension_numbers = #tpu.dot_dimension_numbers<[1], [0], [0], [1], [0, 0, 1, 1], [], []>, transpose_lhs_hint = false} : vector<2048x128xf32>, vector<128x64xf32>, vector<2048x64xf32> -> vector<2048x64xf32>
    %get3A_30 = arith.constant 0 : index
    %get3A_31 = arith.constant 0 : index
    %get3A_32 = vector.load %arg7[%get3A_30, %get3A_31] : memref<1x64xf32, #tpu.memory_space<vmem>>, vector<1x64xf32>
    %add3A = vector.broadcast %get3A_32 : vector<1x64xf32> to vector<2048x64xf32>
    %add3A_33 = arith.addf %dot_general3A_29, %add3A : vector<2048x64xf32>
    %add3A_34 = arith.addf %select_n3A_22, %add3A_33 : vector<2048x64xf32>
    %mul3A = arith.mulf %select_n3A, %add3A_34 : vector<2048x64xf32>
    %reduce_sum3A = arith.constant dense<0.000000e+00> : vector<2048xf32>
    %reduce_sum3A_35 = vector.multi_reduction <add>, %mul3A, %reduce_sum3A [1] : vector<2048x64xf32> to vector<2048xf32>
    %swap3A = arith.constant 0 : index
    %swap3A_36 = vector.load %arg8[%swap3A] : memref<2048xf32, #tpu.memory_space<vmem>>, vector<2048xf32>
    tpu.vector_store %arg8[%swap3A], %reduce_sum3A_35 {strides = array<i32>} : memref<2048xf32, #tpu.memory_space<vmem>>, vector<2048xf32>,
    return
  }
  func.func @transform_0(%arg0: i32) -> (i32, i32) {
    %c0_i32 = arith.constant 0 : i32
    %c0_i32_0 = arith.constant 0 : i32
    return %arg0, %c0_i32 : i32, i32
  }
  func.func @transform_1(%arg0: i32) -> (i32, i32) {
    %c0_i32 = arith.constant 0 : i32
    %c0_i32_0 = arith.constant 0 : i32
    return %arg0, %c0_i32 : i32, i32
  }
  func.func @transform_2(%arg0: i32) -> (i32, i32) {
    %c0_i32 = arith.constant 0 : i32
    %c0_i32_0 = arith.constant 0 : i32
    return %arg0, %c0_i32 : i32, i32
  }
  func.func @transform_3(%arg0: i32) -> (i32, i32) {
    %c0_i32 = arith.constant 0 : i32
    %c0_i32_0 = arith.constant 0 : i32
    return %arg0, %c0_i32 : i32, i32
  }
  func.func @transform_4(%arg0: i32) -> (i32, i32) {
    %c0_i32 = arith.constant 0 : i32
    %c0_i32_0 = arith.constant 0 : i32
    return %arg0, %c0_i32 : i32, i32
  }
  func.func @transform_5(%arg0: i32) -> (i32, i32) {
    %c0_i32 = arith.constant 0 : i32
    %c0_i32_0 = arith.constant 0 : i32
    %c0_i32_1 = arith.constant 0 : i32
    return %c0_i32, %c0_i32_0 : i32, i32
  }
  func.func @transform_6(%arg0: i32) -> (i32, i32) {
    %c0_i32 = arith.constant 0 : i32
    %c0_i32_0 = arith.constant 0 : i32
    %c0_i32_1 = arith.constant 0 : i32
    return %c0_i32, %c0_i32_0 : i32, i32
  }
  func.func @transform_7(%arg0: i32) -> i32 {
    %c0_i32 = arith.constant 0 : i32
    return %arg0 : i32
  }
}

</mosaic_0001>

<sc_bundles>
// kernel: kernel.4.cloned.1.call-start
scs
__scs_entry_jumppad:
0x0: {  	(pc) =	sbr.rel $0x88, $3  }
0x1: {  	(tag) =	ssettag $0x0;
	lr =	simm.s32 $0x1  }
0x2: {  	[smem:$0x3F9A] =	sst lr;
	_ =	strace $0xD0000000  }
0x3: {  	_ = 	snop  }
0x4: {  	_ = 	snop  }
0x5: {  	_ = 	snop  }
0x6: {  	_ = 	snop  }
0x7: {  	_ = 	snop  }
__scs_overlays_trampoline_lowered:
0x8: {  	[smem:$0x3FA9] =	sst s0  }
0x9: {  	[smem:$0x3FAA] =	sst s1  }
0xa: {  	[smem:$0x3FAB] =	sst s2  }
0xb: {  	[smem:$0x3FAC] =	sst s3  }
0xc: {  	[smem:$0x3FAD] =	sst s4  }
0xd: {  	[smem:$0x3FAE] =	sst s5  }
0xe: {  	[smem:$0x3FAF] =	sst s6  }
0xf: {  	[smem:$0x3FB0] =	sst s7  }
0x10: {  	[smem:$0x3FB1] =	sst s8  }
0x11: {  	[smem:$0x3FB2] =	sst s9;
	s0 =	simm.s32 @!p0 $0x0  }
0x12: {  	s1 =	sld [smem:$0x3F98];
	s0 =	simm.s32 @p0 $0x1  }
0x13: {  	[smem:$0x3FB3] =	sst s0;
	s0 =	simm.s32 @!p1 $0x0  }
0x14: {  	s2 =	sld [smem:$0x3F97];
	s0 =	simm.s32 @p1 $0x1  }
0x15: {  	[smem:$0x3FB4] =	sst s0;
	s0 =	simm.s32 @!p2 $0x0  }
0x16: {  	s3 =	sld [smem:$0x3FDB];
	s0 =	simm.s32 @p2 $0x1  }
0x17: {  	s4 =	simm.s32 $0x1BF5;
	[smem:$0x3FB6] =	sst s0  }
0x18: {  	s0 =	sld [smem:$0x3F99];
	_ =	swait.ge [sflag:s4], $0x0  }
0x19: {  	s7 =	sld [smem:$0x3F9A]  }
0x1a: {  	s8 =	sadd.s32 $0xFFFFE003, lr  }
0x1b: {  	s9 =	sadd.s32 $0xFFFFFEF7, lr;
	s5 =	simm.s32 $0xFFFFFFFF;
	p2 =	slt.u32 s8, $0xFFFFF086  }
0x1c: {  	p1 =	slt.u32 s9, $0xF7A;
	s5 =	simm.s32 @!p2 $0x0  }
0x1d: {  	s5 =	simm.s32 @p1 $0x1;
	p0 =	seq.s32 s7, s2  }
0x1e: {  	s7 =	smul.u32 @!p0 $0xF7A, s2;
	p2 =	seq.s32 @!p0 s5, $0x0  }
0x1f: {  	s9 =	smul.u32 $0xF7A, s1;
	s8 =	simm.s32 @!p0 $0x1BF5;
	p2 =	por !p2, p0  }
0x20: {  	[sflag:s8] =	ssyncset.s32 @!p0 $0xFFFFF086;
	s6 =	sadd.s32 @!p0 s3, s7;
	s7 =	simm.s32 @!p0 $0x108  }
0x21: {  	s3 =	sadd.s32 s3, s9;
	s6 =	sadd.s32 @!p0 $0x88, s6;
	s7 =	simm.s32 @p2 $0x1082  }
0x22: {  	[simem:s7], [sflag:s8] =	dma.local @!p0 [hbm:s6], $0xF7A  }
0x23: {  	s9 =	sor.u32 $0xD0000000, s2;
	s6 =	simm.s32 $0x108;
	_ =	swait.ge @!p0 [sflag:s8], $0x0  }
0x24: {  	s3 =	sadd.s32 $0x88, s3;
	s6 =	simm.s32 @!p1 $0x1082;
	[sflag:s4] =	ssyncset.s32 $0xFFFFF086  }
0x25: {  	[simem:s6], [sflag:s4] =	dma.local [hbm:s3], $0xF7A  }
0x26: {  	[smem:$0x3F9A] =	sst s1;
	(tag) =	ssettag s2;
	_ =	strace s9  }
0x27: {  	s1 =	sld [smem:$0x3FAA]  }
0x28: {  	s2 =	sld [smem:$0x3FAB]  }
0x29: {  	s4 =	sld [smem:$0x3FAD]  }
0x2a: {  	p0 =	seq.s32 s5, $0x0;
	s5 =	sld [smem:$0x3FAE]  }
0x2b: {  	s6 =	sld [smem:$0x3FAF]  }
0x2c: {  	s7 =	sld [smem:$0x3FB0]  }
0x2d: {  	s3 =	simm.s32 $0x108;
	s8 =	sld [smem:$0x3FB1]  }
0x2e: {  	s3 =	simm.s32 @!p0 $0x1082;
	s9 =	sld [smem:$0x3FB2]  }
0x2f: {  	lr =	sadd.s32 s0, s3;
	s0 =	sld [smem:$0x3FA9]  }
0x30: {  	s3 =	sld [smem:$0x3FAC]  }
0x31: {  	[smem:$0x3FB5] =	sst s10  }
0x32: {  	s10 =	sld [smem:$0x3FB3];
	_ =	sdelay $0x3  }
0x33: {  	p0 =	seq.s32 s10, $0x1;
	s10 =	sld [smem:$0x3FB5];
	_ =	sdelay $0x3  }
0x34: {  	[smem:$0x3FB5] =	sst s10  }
0x35: {  	s10 =	sld [smem:$0x3FB4];
	_ =	sdelay $0x3  }
0x36: {  	p1 =	seq.s32 s10, $0x1;
	s10 =	sld [smem:$0x3FB5];
	_ =	sdelay $0x3  }
0x37: {  	[smem:$0x3FB5] =	sst s10  }
0x38: {  	s10 =	sld [smem:$0x3FB6]  }
0x39: {  	_ = 	snop;
	(pc) =	sbr.ind lr, $3  }
0x3a: {  	_ = 	snop  }
0x3b: {  	_ = 	snop  }
0x3c: {  	p2 =	seq.s32 s10, $0x1;
	s10 =	sld [smem:$0x3FB5]  }
0x3d: {  	_ =	shalt  }
0x3e: {  	_ =	shalt  }
0x3f: {  	_ =	shalt  }
0x40: {  	_ =	shalt  }
0x41: {  	_ =	shalt  }
0x42: {  	_ =	shalt  }
0x43: {  	_ =	shalt  }
0x44: {  	_ =	shalt  }
0x45: {  	_ =	shalt  }
0x46: {  	_ =	shalt  }
0x47: {  	_ =	shalt  }
0x48: {  	_ =	shalt  }
0x49: {  	_ =	shalt  }
0x4a: {  	_ =	shalt  }
0x4b: {  	_ =	shalt  }
0x4c: {  	_ =	shalt  }
0x4d: {  	_ =	shalt  }
0x4e: {  	_ =	shalt  }
0x4f: {  	_ =	shalt  }
0x50: {  	_ =	shalt  }
0x51: {  	_ =	shalt  }
0x52: {  	_ =	shalt  }
0x53: {  	_ =	shalt  }
0x54: {  	_ =	shalt  }
0x55: {  	_ =	shalt  }
0x56: {  	_ =	shalt  }
0x57: {  	_ =	shalt  }
0x58: {  	_ =	shalt  }
0x59: {  	_ =	shalt  }
0x5a: {  	_ =	shalt  }
0x5b: {  	_ =	shalt  }
0x5c: {  	_ =	shalt  }
0x5d: {  	_ =	shalt  }
0x5e: {  	_ =	shalt  }
0x5f: {  	_ =	shalt  }
0x60: {  	_ =	shalt  }
0x61: {  	_ =	shalt  }
0x62: {  	_ =	shalt  }
0x63: {  	_ =	shalt  }
0x64: {  	_ =	shalt  }
0x65: {  	_ =	shalt  }
0x66: {  	_ =	shalt  }
0x67: {  	_ =	shalt  }
0x68: {  	_ =	shalt  }
0x69: {  	_ =	shalt  }
0x6a: {  	_ =	shalt  }
0x6b: {  	_ =	shalt  }
0x6c: {  	_ =	shalt  }
0x6d: {  	_ =	shalt  }
0x6e: {  	_ =	shalt  }
0x6f: {  	_ =	shalt  }
0x70: {  	_ =	shalt  }
0x71: {  	_ =	shalt  }
0x72: {  	_ =	shalt  }
0x73: {  	_ =	shalt  }
0x74: {  	_ =	shalt  }
0x75: {  	_ =	shalt  }
0x76: {  	_ =	shalt  }
0x77: {  	_ =	shalt  }
0x78: {  	_ =	shalt  }
0x79: {  	_ =	shalt  }
0x7a: {  	_ =	shalt  }
0x7b: {  	_ =	shalt  }
0x7c: {  	_ =	shalt  }
0x7d: {  	_ =	shalt  }
0x7e: {  	_ =	shalt  }
0x7f: {  	_ =	shalt  }
0x80: {  	_ =	shalt  }
0x81: {  	_ =	shalt  }
0x82: {  	_ =	shalt  }
0x83: {  	_ =	shalt  }
0x84: {  	_ =	shalt  }
0x85: {  	_ =	shalt  }
0x86: {  	_ =	shalt  }
0x87: {  	_ =	shalt  }
.Lfunc_end0:
.L_simem_size_0:
called_computation_lowered:
.L_overlay_start_0:
0x88: {  	s2 =	sld [smem:$0x3FD9]  }
0x89: {  	s3 =	sld [smem:$0x3FFE];
	_ =	sdelay $0x1  }
0x8a: {  	s1 =	srdreg.scid  }
0x8b: {  	s0 =	sand.u32 $0x1, s1  }
0x8c: {  	s16 =	sshll.u32 s0, $0xA;
	s2 =	sadd.s32 s3, s2  }
0x8d: {  	s2 =	sadd.s32 s2, s16  }
0x8e: {  	[smem:$0x3FC1] =	sst s2  }
0x8f: {  	_ = 	snop  }
0x90: {  	(tm) =	ssettm $0x1  }
0x91: {  	s17 =	sld [smem:$0x3FFB];
	_ =	sdelay $0x3  }
0x92: {  	_ =	strace s17  }
0x93: {  	s2 =	sld [smem:$0x3FFC];
	_ =	sdelay $0x3  }
0x94: {  	_ =	strace s2  }
0x95: {  	s2 =	sld [smem:$0x3FFD];
	_ =	sdelay $0x3  }
0x96: {  	_ =	strace s2  }
0x97: {  	_ =	strace $0x8FFFFFFF  }
0x98: {  	s18 =	sld [smem:$0x3FDB];
	_ =	sdelay $0x1  }
0x99: {  	s19 =	simm.s32 $_scs_section_size  }
0x9a: {  	s4 =	simm.s32 $_size__tile_overlayer_lowered;
	s5 =	simm.s32 $_tile_overlayer_lowered  }
0x9b: {  	s22 =	simm.s32 $0x1BFF;
	s21 =	sshll.u32 s5, $0x1;
	s2 =	sadd.s32 s19, s18  }
0x9c: {  	s6 =	simm.s32 $0x0;
	s20 =	sshll.u32 s4, $0x1;
	s4 =	sadd.s32 s21, s2  }
0x9d: {  	[timem:s6], [sflag:s22] =	dma.local [hbm:s4], s20  }
0x9e: {  	_ =	swait.ge [sflag:s22], s20  }
0x9f: {  	s3 =	ssub.s32 $0x0, s20;
	[sflag:s22] =	ssyncset.done $0x0  }
0xa0: {  	[sflag:s22] =	ssyncadd.s32 s3;
	_ =	sdelay $0x1  }
0xa1: {  	s23 =	simm.s32 $0x1B8B  }
0xa2: {  	_ =	swait.ge [sflag:s23], $0x1  }
0xa3: {  	[sflag:s23] =	ssyncset.done $0x0  }
0xa4: {  	s25 =	simm.s32 $0x1B8E;
	s24 =	sld [smem:$0x3FFE];
	[sflag:s23] =	ssyncadd.s32 $0xFFFFFFFF  }
0xa5: {  	s26 =	simm.s32 $execute0_lowered;
	[smem:$0x3FD2] =	sst s25  }
0xa6: {  	s4 =	sshll.u32 s26, $0x1;
	_ =	strace $0x80000046;
	[dreg:$0x1] =	wrdreg $0xFFFFFFFF  }
0xa7: {  	s28 =	simm.s32 $_size_execute0_lowered;
	s2 =	sadd.s32 s2, s4;
	[dreg:$0x0] =	wrdreg $0x0  }
0xa8: {  	s4 =	sshll.u32 s28, $0x1;
	[dreg:$0x2] =	wrdreg s2  }
0xa9: {  	[dreg:$0x3] =	wrdreg s4  }
0xaa: {  	[dreg:$0x4] =	wrdreg $0xC0  }
0xab: {  	_ =	task [dreg:s6], $0x5FFFF  }
0xac: {  	[dreg:$0x1] =	wrdreg $0xFFFFFFFF  }
0xad: {  	[dreg:$0x0] =	wrdreg $0x60  }
0xae: {  	[dreg:$0x2] =	wrdreg s24  }
0xaf: {  	[dreg:$0x3] =	wrdreg $0x9  }
0xb0: {  	_ =	task.clear_ibuf [dreg:s6], $0x4FFFF;
	_ =	strace $0x90000046  }
0xb1: {  	s29 =	simm.s32 $0x9;
	_ =	strace $0x80000048  }
0xb2: {  	_ =	swait.ge [sflag:s29], $0x1  }
0xb3: {  	[sflag:s29] =	ssyncadd.s32 $0xFFFFFFFF  }
0xb4: {  	_ =	strace $0x90000048  }
0xb5: {  	_ =	sfence  }
0xb6: {  	s30 =	sld [smem:$0x0];
	_ =	sdelay $0x2  }
0xb7: {  	s31 =	sshll.u32 s1, $0xD;
	s1 =	sshrl.u32 s1, $0x2  }
0xb8: {  	s3 =	sand.u32 $0x4000, s31;
	s1 =	sadd.s32 s1, s30  }
0xb9: {  	s0 =	sor.u32 s3, s0;
	s1 =	sshll.u32 s1, $0x11  }
0xba: {  	s0 =	sor.u32 s1, s0  }
0xbb: {  	s0 =	sadd.s32 $0x8F2B, s0  }
0xbc: {  	[sflag:s0] =	ssyncadd.remote.s32 $0x1  }
0xbd: {  	_ =	sfence.sel $0xFFFF  }
0xbe: {  	[dreg:$0x0] =	wrdreg $0xFFFFFFFF;
	(pc) =	sbr.abs _section_cstart, $3  }
0xbf: {  	[dreg:$0x1] =	wrdreg $0xFFFFFFFF  }
0xc0: {  	_ =	task.clear_ibuf [dreg:s6], $0x2FFFF;
	_ =	strace $0x9FFFFFFF  }
0xc1: {  	(tm) =	ssettm $0x7FFFFFFF  }
tec
execute0_lowered:
.L_overlay_start_1:
0x0: {  	(tag) =	ssettag $0x1  }
0x1: {  	s1 =	srdreg.scid  }
0x2: {  	s0 =	stileid.u32;
	s23 =	sand.u32 $0x1, s1  }
0x3: {  	s29 =	sshll.u32 s0, $0xA;
	s2 =	sshll.u32 s23, $0x9  }
0x4: {  	s18 =	rddreg [dreg:$0x0];
	s17 =	sor.u32 s2, s29  }
0x5: {  	s1 =	rddreg [dreg:$0x1];
	s2 =	simm.s32 $0x0;
	s3 =	sshrl.u32 s17, $0x3  }
0x6: {  	[smem:$0x7FF] =	sst s2;
	s5 =	sadd.s32 s3, s18  }
0x7: {  	_ =	strace $0x80000047;
	s3 =	simm.s32 $0x3;
	s4 =	sadd.s32 $0x2A00, s5  }
0x8: {  	[tilespmem:s2], [sflag:$0x3] =	stream.linear.gather [hbm4b:s4+s2], $0x200, $0x38;
	[tilespmem:$0x10400] =	vst v63  }
0x9: {  	_ =	swait.ge [sflag:s3], $0x200  }
0xa: {  	[sflag:s3] =	ssyncset.done $0x0  }
0xb: {  	s6 =	simm.s32 $0x200;
	s5 =	sadd.s32 $0x2200, s5;
	[sflag:s3] =	ssyncadd.s32 $0xFFFFFE00  }
0xc: {  	[tilespmem:s6], [sflag:$0x3] =	stream.linear.gather [hbm4b:s5+s2], $0x200, $0x38;
	[tilespmem:$0x10400] =	vst v63  }
0xd: {  	_ =	swait.ge [sflag:s3], $0x200  }
0xe: {  	s8 =	simm.s32 $0x80;
	[sflag:s3] =	ssyncset.done $0x0  }
0xf: {  	s9 =	simm.s32 $0x400;
	s7 =	sadd.s32 $0xF43E00, s18;
	[sflag:s3] =	ssyncadd.s32 $0xFFFFFE00  }
0x10: {  	[tilespmem:s9], [sflag:$0x1] =	stream.indirect.gather [hbm4b:s7+s8], $0x80, s2, s8, $0xb8;
	[tilespmem:$0x10400] =	vst v63  }
0x11: {  	s11 =	simm.s32 $0x8400;
	s10 =	sadd.s32 $0x188400, s18  }
0x12: {  	[tilespmem:s11], [sflag:$0x2] =	stream.indirect.gather [hbm4b:s10+s8], $0x80, s6, s8, $0xb8;
	[tilespmem:$0x10400] =	vst v63  }
0x13: {  	s12 =	simm.s32 $0x4400  }
0x14: {  	[tilespmem:s12], [sflag:$0x1] =	stream.indirect.gather [hbm4b:s7+s8], $0x80, s8, s8, $0xb8;
	[tilespmem:$0x10400] =	vst v63  }
0x15: {  	s13 =	simm.s32 $0x280;
	s14 =	simm.s32 $0xC400;
	s15 =	simm.s32 $0x1  }
0x16: {  	[tilespmem:s14], [sflag:$0x2] =	stream.indirect.gather [hbm4b:s10+s8], $0x80, s13, s8, $0xb8;
	[tilespmem:$0x10400] =	vst v63  }
0x17: {  	_ =	swait.ge [sflag:s15], $0x4000  }
0x18: {  	[sflag:s15] =	ssyncset.done $0x0  }
0x19: {  	s16 =	simm.s32 $0x2;
	[sflag:s15] =	ssyncadd.s32 $0xFFFFC000  }
0x1a: {  	_ =	swait.ge [sflag:s16], $0x4000  }
0x1b: {  	[sflag:s16] =	ssyncset.done $0x0  }
0x1c: {  	[sflag:s16] =	ssyncadd.s32 $0xFFFFC000  }
0x1d: {  	_ =	swait.ge [sflag:s15], $0x4000  }
0x1e: {  	[sflag:s15] =	ssyncset.done $0x0  }
0x1f: {  	[sflag:s15] =	ssyncadd.s32 $0xFFFFC000  }
0x20: {  	_ =	swait.ge [sflag:s16], $0x4000  }
0x21: {  	s24 =	sadd.s32 $0x3200, s18;
	s25 =	sshll.u32 s17, $0x4;
	[sflag:s16] =	ssyncset.done $0x0  }
0x22: {  	s17 =	sadd.s32 s24, s25;
	[sflag:s16] =	ssyncadd.s32 $0xFFFFC000  }
0x23: {  	[hbm4b:s17+s2] =	stream.linear.scatter [tilespmem:s9], [sflag:$0x3], $0x8000, $0x38;
	[tilespmem:$0x10400] =	vst v63  }
0x24: {  	_ =	swait.ge [sflag:s3], $0x8000  }
0x25: {  	s26 =	sadd.s32 $0x43200, s18;
	[sflag:s3] =	ssyncset.done $0x0  }
0x26: {  	s18 =	sadd.s32 s26, s25;
	[sflag:s3] =	ssyncadd.s32 $0xFFFF8000  }
0x27: {  	[hbm4b:s18+s2] =	stream.linear.scatter [tilespmem:s11], [sflag:$0x3], $0x8000, $0x38;
	[tilespmem:$0x10400] =	vst v63  }
0x28: {  	_ =	swait.ge [sflag:s3], $0x8000  }
0x29: {  	[sflag:s3] =	ssyncset.done $0x0  }
0x2a: {  	s19 =	simm.s32 $0x100;
	[sflag:s3] =	ssyncadd.s32 $0xFFFF8000  }
0x2b: {  	[tilespmem:s9], [sflag:$0x1] =	stream.indirect.gather [hbm4b:s7+s8], $0x80, s19, s8, $0xb8;
	[tilespmem:$0x10400] =	vst v63  }
0x2c: {  	s20 =	simm.s32 $0x300  }
0x2d: {  	[tilespmem:s11], [sflag:$0x2] =	stream.indirect.gather [hbm4b:s10+s8], $0x80, s20, s8, $0xb8;
	[tilespmem:$0x10400] =	vst v63  }
0x2e: {  	s21 =	simm.s32 $0x180  }
0x2f: {  	[tilespmem:s12], [sflag:$0x1] =	stream.indirect.gather [hbm4b:s7+s8], $0x80, s21, s8, $0xb8;
	[tilespmem:$0x10400] =	vst v63  }
0x30: {  	s22 =	simm.s32 $0x380  }
0x31: {  	[tilespmem:s14], [sflag:$0x2] =	stream.indirect.gather [hbm4b:s10+s8], $0x80, s22, s8, $0xb8;
	[tilespmem:$0x10400] =	vst v63  }
0x32: {  	_ =	swait.ge [sflag:s15], $0x4000  }
0x33: {  	[sflag:s15] =	ssyncset.done $0x0  }
0x34: {  	[sflag:s15] =	ssyncadd.s32 $0xFFFFC000  }
0x35: {  	_ =	swait.ge [sflag:s16], $0x4000  }
0x36: {  	[sflag:s16] =	ssyncset.done $0x0  }
0x37: {  	[sflag:s16] =	ssyncadd.s32 $0xFFFFC000  }
0x38: {  	_ =	swait.ge [sflag:s15], $0x4000  }
0x39: {  	[sflag:s15] =	ssyncset.done $0x0  }
0x3a: {  	s28 =	ssub.s32 $0x2, s23;
	[sflag:s15] =	ssyncadd.s32 $0xFFFFC000  }
0x3b: {  	s30 =	sshrl.u32 s28, $0x1;
	_ =	swait.ge [sflag:s16], $0x4000  }
0x3c: {  	s28 =	ssub.s32 s28, s30;
	s25 =	sor.u32 $0x1000, s25;
	[sflag:s16] =	ssyncset.done $0x0  }
0x3d: {  	s31 =	smax.u32 s28, $0x1;
	s23 =	sadd.s32 s24, s25;
	[sflag:s16] =	ssyncadd.s32 $0xFFFFC000  }
0x3e: {  	[hbm4b:s23+s2] =	stream.linear.scatter [tilespmem:s9], [sflag:$0x3], $0x8000, $0x38;
	[tilespmem:$0x10400] =	vst v63  }
0x3f: {  	p0 =	sne.s32 s31, $0x1;
	_ =	swait.ge [sflag:s3], $0x8000  }
.Ltmp0:
0x40: {  	[sflag:s3] =	ssyncset.done $0x0;
	(pc) =	sbr.rel @!p0 .LBB2_2-.Ltmp0, $4  }
0x41: {  	s24 =	sadd.s32 s26, s25;
	[sflag:s3] =	ssyncadd.s32 $0xFFFF8000  }
0x42: {  	[hbm4b:s24+s2] =	stream.linear.scatter [tilespmem:s11], [sflag:$0x3], $0x8000, $0x38;
	[tilespmem:$0x10400] =	vst v63  }
0x43: {  	_ =	swait.ge [sflag:s3], $0x8000  }
0x44: {  	s25 =	sadd.s32 $0xFFFFFFFF, s31;
	[sflag:s3] =	ssyncset.done $0x0  }
.LBB2_1:
0x45: {  	p0 =	sne.s32 s25, $0x1;
	s25 =	sadd.s32 $0xFFFFFFFF, s25;
	[sflag:s3] =	ssyncadd.s32 $0xFFFF8000  }
0x46: {  	[tilespmem:s2], [sflag:$0x3] =	stream.linear.gather [hbm4b:s4+s2], $0x200, $0x38;
	[tilespmem:$0x10400] =	vst v63  }
0x47: {  	_ =	swait.ge [sflag:s3], $0x200  }
0x48: {  	[sflag:s3] =	ssyncset.done $0x0  }
0x49: {  	[sflag:s3] =	ssyncadd.s32 $0xFFFFFE00  }
0x4a: {  	[tilespmem:s6], [sflag:$0x3] =	stream.linear.gather [hbm4b:s5+s2], $0x200, $0x38;
	[tilespmem:$0x10400] =	vst v63  }
0x4b: {  	_ =	swait.ge [sflag:s3], $0x200  }
0x4c: {  	[sflag:s3] =	ssyncset.done $0x0  }
0x4d: {  	[sflag:s3] =	ssyncadd.s32 $0xFFFFFE00  }
0x4e: {  	[tilespmem:s9], [sflag:$0x1] =	stream.indirect.gather [hbm4b:s7+s8], $0x80, s2, s8, $0xb8;
	[tilespmem:$0x10400] =	vst v63  }
0x4f: {  	_ = 	snop  }
0x50: {  	[tilespmem:s11], [sflag:$0x2] =	stream.indirect.gather [hbm4b:s10+s8], $0x80, s6, s8, $0xb8;
	[tilespmem:$0x10400] =	vst v63  }
0x51: {  	_ = 	snop  }
0x52: {  	[tilespmem:s12], [sflag:$0x1] =	stream.indirect.gather [hbm4b:s7+s8], $0x80, s8, s8, $0xb8;
	[tilespmem:$0x10400] =	vst v63  }
0x53: {  	_ = 	snop  }
0x54: {  	[tilespmem:s14], [sflag:$0x2] =	stream.indirect.gather [hbm4b:s10+s8], $0x80, s13, s8, $0xb8;
	[tilespmem:$0x10400] =	vst v63  }
0x55: {  	_ =	swait.ge [sflag:s15], $0x4000  }
0x56: {  	[sflag:s15] =	ssyncset.done $0x0  }
0x57: {  	[sflag:s15] =	ssyncadd.s32 $0xFFFFC000  }
0x58: {  	_ =	swait.ge [sflag:s16], $0x4000  }
0x59: {  	[sflag:s16] =	ssyncset.done $0x0  }
0x5a: {  	[sflag:s16] =	ssyncadd.s32 $0xFFFFC000  }
0x5b: {  	_ =	swait.ge [sflag:s15], $0x4000  }
0x5c: {  	[sflag:s15] =	ssyncset.done $0x0  }
0x5d: {  	[sflag:s15] =	ssyncadd.s32 $0xFFFFC000  }
0x5e: {  	_ =	swait.ge [sflag:s16], $0x4000  }
0x5f: {  	[sflag:s16] =	ssyncset.done $0x0  }
0x60: {  	[sflag:s16] =	ssyncadd.s32 $0xFFFFC000  }
0x61: {  	[hbm4b:s17+s2] =	stream.linear.scatter [tilespmem:s9], [sflag:$0x3], $0x8000, $0x38;
	[tilespmem:$0x10400] =	vst v63  }
0x62: {  	_ =	swait.ge [sflag:s3], $0x8000  }
0x63: {  	[sflag:s3] =	ssyncset.done $0x0  }
0x64: {  	[sflag:s3] =	ssyncadd.s32 $0xFFFF8000  }
0x65: {  	[hbm4b:s18+s2] =	stream.linear.scatter [tilespmem:s11], [sflag:$0x3], $0x8000, $0x38;
	[tilespmem:$0x10400] =	vst v63  }
0x66: {  	_ =	swait.ge [sflag:s3], $0x8000  }
0x67: {  	[sflag:s3] =	ssyncset.done $0x0  }
0x68: {  	[sflag:s3] =	ssyncadd.s32 $0xFFFF8000  }
0x69: {  	[tilespmem:s9], [sflag:$0x1] =	stream.indirect.gather [hbm4b:s7+s8], $0x80, s19, s8, $0xb8;
	[tilespmem:$0x10400] =	vst v63  }
0x6a: {  	_ = 	snop  }
0x6b: {  	[tilespmem:s11], [sflag:$0x2] =	stream.indirect.gather [hbm4b:s10+s8], $0x80, s20, s8, $0xb8;
	[tilespmem:$0x10400] =	vst v63  }
0x6c: {  	_ = 	snop  }
0x6d: {  	[tilespmem:s12], [sflag:$0x1] =	stream.indirect.gather [hbm4b:s7+s8], $0x80, s21, s8, $0xb8;
	[tilespmem:$0x10400] =	vst v63  }
0x6e: {  	_ = 	snop  }
0x6f: {  	[tilespmem:s14], [sflag:$0x2] =	stream.indirect.gather [hbm4b:s10+s8], $0x80, s22, s8, $0xb8;
	[tilespmem:$0x10400] =	vst v63  }
0x70: {  	_ =	swait.ge [sflag:s15], $0x4000  }
0x71: {  	[sflag:s15] =	ssyncset.done $0x0  }
0x72: {  	[sflag:s15] =	ssyncadd.s32 $0xFFFFC000  }
0x73: {  	_ =	swait.ge [sflag:s16], $0x4000  }
0x74: {  	[sflag:s16] =	ssyncset.done $0x0  }
0x75: {  	[sflag:s16] =	ssyncadd.s32 $0xFFFFC000  }
0x76: {  	_ =	swait.ge [sflag:s15], $0x4000  }
0x77: {  	[sflag:s15] =	ssyncset.done $0x0  }
0x78: {  	[sflag:s15] =	ssyncadd.s32 $0xFFFFC000  }
0x79: {  	_ =	swait.ge [sflag:s16], $0x4000  }
0x7a: {  	[sflag:s16] =	ssyncset.done $0x0  }
0x7b: {  	[sflag:s16] =	ssyncadd.s32 $0xFFFFC000  }
0x7c: {  	[hbm4b:s23+s2] =	stream.linear.scatter [tilespmem:s9], [sflag:$0x3], $0x8000, $0x38;
	[tilespmem:$0x10400] =	vst v63  }
0x7d: {  	_ =	swait.ge [sflag:s3], $0x8000  }
.Ltmp1:
0x7e: {  	[sflag:s3] =	ssyncset.done $0x0;
	(pc) =	sbr.rel @p0 .LBB2_1-.Ltmp1, $4  }
0x7f: {  	[sflag:s3] =	ssyncadd.s32 $0xFFFF8000  }
0x80: {  	[hbm4b:s24+s2] =	stream.linear.scatter [tilespmem:s11], [sflag:$0x3], $0x8000, $0x38;
	[tilespmem:$0x10400] =	vst v63  }
0x81: {  	_ =	swait.ge [sflag:s3], $0x8000  }
0x82: {  	[sflag:s3] =	ssyncset.done $0x0  }
.LBB2_2:
0x83: {  	[sflag:s3] =	ssyncadd.s32 $0xFFFF8000  }
0x84: {  	_ =	sfence.sel $0x180000  }
0x85: {  	[bflag:$0x0] =	sbarrier.arrive $0xFFFF  }
0x86: {  	p0 =	sne.s32 s0, $0x0;
	_ =	strace $0x90000047  }
0x87: {  	s0 =	sadd.s32 @!p0 $0x100000, s1;
	[bflag:$0x2] =	sbarrier.arrive $0xFFFF  }
0x88: {  	[sflag:s0] =	ssyncadd.tile.s32 @!p0 $0x1;
	_ =	shalt  }
.Lfunc_end2:
_tile_overlayer_lowered:
.L_overlay_start_2:
0x89: {  	(tag) =	ssettag $0x2  }
0x8a: {  	s0 =	rddreg [dreg:$0x0];
	s2 =	stileid.u32  }
0x8b: {  	s1 =	rddreg [dreg:$0x1];
	p0 =	sne.s32 s2, $0x0  }
0x8c: {  	s3 =	rddreg [dreg:$0x2];
	[bflag:$0x3] =	sbarrier.arrive $0xFFFF;
	s2 =	simm.s32 @!p0 $0x1C03  }
0x8d: {  	[timem:s3], [sflag:s2] =	dma.local @!p0 [hbm:s0], s1  }
0x8e: {  	s0 =	simm.s32 @!p0 $0x3  }
0x8f: {  	_ =	swait.ge @!p0 [sflag:s0], s1  }
0x90: {  	s1 =	ssub.s32 @!p0 $0x0, s1;
	[sflag:s0] =	ssyncset.done @!p0 $0x0  }
0x91: {  	[sflag:s0] =	ssyncadd.s32 @!p0 s1  }
0x92: {  	[bflag:$0x3] =	sbarrier.arrive $0xFFFF  }
0x93: {  	_ =	shalt  }

</sc_bundles>
